<compile_context>
chip_gen: v7x
topology: tpu7x:2x2x1
jax: 0.10.2.dev20260603
libtpu: 0.0.44.dev20260713+nightly
codegen_flags: <defaults>
</compile_context>

<pallas_src>
import functools

import jax
import jax.numpy as jnp
from jax import lax
from jax.experimental import pallas as pl
from jax.experimental.pallas import tpu as pltpu
from jax.experimental.pallas import tpu_sc as plsc

TEMP = 0.07
N_CLASSES = 65536
D = 128
B = 1024
N_CAMS = 8

T = 8192
NT = N_CLASSES // T

_SC_INFO = plsc.get_sparse_core_info()
_NW = _SC_INFO.num_cores * _SC_INFO.num_subcores
_RPW = B // _NW



def _sc_body(mem_hbm, lab_hbm, ccam_hbm,
             rows_hbm, cclab_hbm,
             idx_v, rows_v, cc_v, sem_a, sem_b):
    wid = lax.axis_index("s") * _SC_INFO.num_cores + lax.axis_index("c")
    base = wid * _RPW
    pltpu.sync_copy(lab_hbm.at[pl.ds(base, _RPW)], idx_v)
    ca = pltpu.async_copy(mem_hbm.at[idx_v], rows_v, sem_a)
    cb = pltpu.async_copy(ccam_hbm.at[idx_v], cc_v, sem_b)
    ca.wait()
    cb.wait()
    pltpu.sync_copy(rows_v, rows_hbm.at[pl.ds(base, _RPW)])
    pltpu.sync_copy(cc_v, cclab_hbm.at[pl.ds(base, _RPW)])


_sc_lookup = functools.partial(
    pl.kernel, _sc_body,
    mesh=plsc.VectorSubcoreMesh(core_axis_name="c", subcore_axis_name="s"),
    out_type=[jax.ShapeDtypeStruct((B, D), jnp.float32),
              jax.ShapeDtypeStruct((B,), jnp.int32)],
    scratch_types=[
        pltpu.VMEM((_RPW,), jnp.int32),
        pltpu.VMEM((_RPW, D), jnp.float32),
        pltpu.VMEM((_RPW,), jnp.int32),
        pltpu.SemaphoreType.DMA,
        pltpu.SemaphoreType.DMA,
    ],
)



_LOG2E = 1.4426950408889634


def _main_body(feat_ref, mem_ref, ccam_ref, acc_ref, featb_ref):
    t = pl.program_id(0)

    @pl.when(t == 0)
    def _prep():
        featb_ref[...] = (feat_ref[...] * (_LOG2E / TEMP)).astype(jnp.bfloat16)

    scores2 = lax.dot_general(
        featb_ref[...], mem_ref[...].astype(jnp.bfloat16),
        (((1,), (1,)), ((), ())),
        preferred_element_type=jnp.float32).astype(jnp.bfloat16)
    oh = (lax.broadcasted_iota(jnp.int32, (N_CAMS, T), 0)
          == ccam_ref[0]).astype(jnp.bfloat16)
    part = lax.dot_general(
        jnp.exp2(scores2), oh, (((1,), (1,)), ((), ())),
        preferred_element_type=jnp.float32)

    @pl.when(t == 0)
    def _init():
        acc_ref[...] = part

    @pl.when(t != 0)
    def _accum():
        acc_ref[...] += part


def _epilogue_body(feat_ref, rows_ref, acc_ref, cclab_ref, cams_ref, out_ref):
    acc = acc_ref[...]
    s_col = jnp.sum(feat_ref[...] * rows_ref[...], axis=1,
                    keepdims=True) * (1.0 / TEMP)
    cam_oh = (lax.broadcasted_iota(jnp.int32, (B, N_CAMS), 1)
              == cams_ref[...]).astype(jnp.float32)
    counts = jnp.sum(cam_oh, axis=0, keepdims=True)
    inv = 1.0 / jnp.maximum(counts, 1.0)
    lse = jnp.log2(jnp.where(acc > 0.0, acc, 1.0)) * 0.6931471805599453
    lse_sel = jnp.sum(cam_oh * lse, axis=1, keepdims=True)
    inv_sel = jnp.sum(cam_oh * inv, axis=1, keepdims=True)
    per_row = jnp.where(cclab_ref[...] == cams_ref[...],
                        (lse_sel - s_col) * inv_sel, 0.0)
    out_ref[...] = jnp.sum(per_row, axis=0, keepdims=True)


def kernel(features, labels, cams, epoch, class_memory, class_camera):
    del epoch
    lab1 = labels.astype(jnp.int32)
    cams1 = cams.astype(jnp.int32)
    ccam1 = class_camera.astype(jnp.int32)

    acc = pl.pallas_call(
        _main_body,
        grid=(NT,),
        in_specs=[
            pl.BlockSpec((B, D), lambda t: (0, 0)),
            pl.BlockSpec((T, D), lambda t: (t, 0)),
            pl.BlockSpec((1, T), lambda t: (0, t)),
        ],
        out_specs=pl.BlockSpec((B, N_CAMS), lambda t: (0, 0)),
        out_shape=jax.ShapeDtypeStruct((B, N_CAMS), jnp.float32),
        scratch_shapes=[pltpu.VMEM((B, D), jnp.bfloat16)],
    )(features, class_memory, ccam1.reshape(1, N_CLASSES))

    rows, cclab = _sc_lookup()(class_memory, lab1, ccam1)

    loss = pl.pallas_call(
        _epilogue_body,
        out_shape=jax.ShapeDtypeStruct((1, 1), jnp.float32),
    )(features, rows, acc, cclab.reshape(B, 1), cams1.reshape(B, 1))
    return loss.reshape(())

# --- scband reference (transcript-rebuilt; emitter-appended) ---
"""Pipeline reference for scband-sct-memory-25494925869416 (READ-ONLY COPY).

The authoritative reference and input builder live on the scoring server;
editing this copy changes nothing except your own understanding.
"""

import jax, jax.numpy as jnp
import numpy as np

TEMP = 0.07
MOMENTUM = 0.2
N_CLASSES = 65536
D = 128
B = 1024
N_CAMS = 8


def _l2norm(x):
    return x / (jnp.linalg.norm(x, axis=1, keepdims=True) + 1e-12)


def setup_inputs(seed: int = 0) -> dict:
    key = jax.random.key(seed)
    k1, k2, k3, k4, k5 = jax.random.split(key, 5)
    features = _l2norm(jax.random.normal(k1, (B, D), dtype=jnp.float32))
    labels = jax.random.randint(k2, (B,), 0, N_CLASSES)
    cams = jax.random.randint(k3, (B,), 0, N_CAMS)
    class_memory = _l2norm(jax.random.normal(k4, (N_CLASSES, D), dtype=jnp.float32))
    class_camera = jax.random.randint(k5, (N_CLASSES,), 0, N_CAMS)
    return {
        "features": features,
        "labels": labels,
        "cams": cams,
        "epoch": 1,
        "class_memory": class_memory,
        "class_camera": class_camera,
    }


def reference(features, labels, cams, epoch, class_memory, class_camera):
    # ExemplarMemory.forward: similarity against memory bank (memory is a
    # non-differentiable buffer -> stop_gradient, matching the custom Function
    # which returns grad=None for `features` memory argument).
    mem = jax.lax.stop_gradient(class_memory)
    cluster_ori_score = features @ mem.T
    cluster_score = cluster_ori_score / TEMP

    loss = jnp.asarray(0.0, dtype=jnp.float32)
    class_ids = jnp.arange(N_CLASSES)
    # per-camera intra-cam loss (get_intra_loss_all_cams), arch != vit_small -> weight=1
    for c in range(N_CAMS):
        rmask = cams == c
        cmask = class_camera == c
        n_rows = rmask.sum()
        n_cols = cmask.sum()
        percam_score = jnp.where(cmask[None, :], cluster_score, -jnp.inf)
        # targets[i, j] = 1 where j == labels[i] and class_camera[j] == c,
        # zeroed for rows outside camera c
        targets = ((labels[:, None] == class_ids[None, :]) & cmask[None, :]).astype(jnp.float32)
        targets = targets * rmask[:, None].astype(jnp.float32)
        logp = jax.nn.log_softmax(percam_score, axis=1)
        logp = jnp.where(cmask[None, :], logp, 0.0)
        denom = jnp.maximum(n_rows, 1).astype(jnp.float32)
        contrib = (-1.0) * ((logp * targets).sum(0) / denom).sum()
        valid = (n_rows > 0) & (n_cols > 0)
        loss = loss + jnp.where(valid, contrib, 0.0)
    return loss

if __name__ == "__main__":
    import jax
    _d = setup_inputs()
    print(jax.jit(kernel)(*tuple(_d.values())))

</pallas_src>

<mosaic_0001>
#map = affine_map<(d0, d1) -> (0, 0)>
#map1 = affine_map<(d0, d1) -> (0)>
module attributes {stable_mosaic.version = 14 : i64} {
  func.func @_sc_body(%arg0: i32, %arg1: i32, %arg2: memref<65536x128xf32, #tpu.memory_space<hbm>>, %arg3: memref<1024xi32, #tpu.memory_space<hbm>>, %arg4: memref<65536xi32, #tpu.memory_space<hbm>>, %arg5: memref<1024x128xf32, #tpu.memory_space<hbm>>, %arg6: memref<1024xi32, #tpu.memory_space<hbm>>, %arg7: memref<32xi32, #tpu.memory_space<vmem>>, %arg8: memref<32x128xf32, #tpu.memory_space<vmem>>, %arg9: memref<32xi32, #tpu.memory_space<vmem>>, %arg10: memref<!tpu.dma_semaphore, #tpu.memory_space<semaphore_mem>>, %arg11: memref<!tpu.dma_semaphore, #tpu.memory_space<semaphore_mem>>) attributes {dimension_semantics = [#tpu.dimension_semantics<core_parallel>, #tpu.dimension_semantics<subcore_parallel>], iteration_bounds = array<i64: 2, 16>, scalar_prefetch = 0 : i64, scratch_operands = 5 : i64, tpu.core_type = #tpu.core_type<sc_vector_subcore>, window_params = [{transform_indices = #map}, {transform_indices = #map1}, {transform_indices = #map1}, {transform_indices = #map}, {transform_indices = #map1}]} {
    %mul3A = arith.constant 2 : i32
    %mul3A_0 = arith.muli %arg1, %mul3A : i32
    %add3A = arith.addi %mul3A_0, %arg0 : i32
    %mul3A_1 = arith.constant 32 : i32
    %mul3A_2 = arith.muli %add3A, %mul3A_1 : i32
    "tpu.region"() ({
      %run_scoped3A = tpu.sem_alloc : memref<!tpu.dma_semaphore, #tpu.memory_space<semaphore_mem>>
      %dma_start3A_11 = tpu.memref_slice %arg3[%mul3A_2] : memref<1024xi32, #tpu.memory_space<hbm>> -> memref<32xi32, #tpu.memory_space<hbm>>
      %dma_start3A_12 = tpu.memref_slice %arg3[%mul3A_2] : memref<1024xi32, #tpu.memory_space<hbm>> -> memref<32xi32, #tpu.memory_space<hbm>>
      tpu.enqueue_dma source(%dma_start3A_12 : memref<32xi32, #tpu.memory_space<hbm>>) target(%arg7 : memref<32xi32, #tpu.memory_space<vmem>>) target_semaphore(%run_scoped3A : memref<!tpu.dma_semaphore, #tpu.memory_space<semaphore_mem>>)
      %dma_wait3A_13 = tpu.memref_slice %arg3[%mul3A_2] : memref<1024xi32, #tpu.memory_space<hbm>> -> memref<32xi32, #tpu.memory_space<hbm>>
      %dma_wait3A_14 = tpu.memref_slice %arg3[%mul3A_2] : memref<1024xi32, #tpu.memory_space<hbm>> -> memref<32xi32, #tpu.memory_space<hbm>>
      tpu.wait_dma2 semaphore(%run_scoped3A : memref<!tpu.dma_semaphore, #tpu.memory_space<semaphore_mem>>) src(%dma_wait3A_14 : memref<32xi32, #tpu.memory_space<hbm>>) dst(%arg7 : memref<32xi32, #tpu.memory_space<vmem>>)
      tpu.yield
    }) : () -> ()
    %dma_start3A = arith.constant 0 : i32
    %dma_start3A_3 = arith.constant 0 : i32
    %dma_start3A_4 = tpu.memref_slice %arg2[%dma_start3A, %dma_start3A_3] : memref<65536x128xf32, #tpu.memory_space<hbm>> -> memref<65536x128xf32, #tpu.memory_space<hbm>>
    tpu.enqueue_indirect_dma source(%dma_start3A_4 : memref<65536x128xf32, #tpu.memory_space<hbm>>) target(%arg8 : memref<32x128xf32, #tpu.memory_space<vmem>>) offsets(%arg7 : memref<32xi32, #tpu.memory_space<vmem>>) semaphore(%arg10 : memref<!tpu.dma_semaphore, #tpu.memory_space<semaphore_mem>>)
    %dma_start3A_5 = arith.constant 0 : i32
    %dma_start3A_6 = tpu.memref_slice %arg4[%dma_start3A_5] : memref<65536xi32, #tpu.memory_space<hbm>> -> memref<65536xi32, #tpu.memory_space<hbm>>
    tpu.enqueue_indirect_dma source(%dma_start3A_6 : memref<65536xi32, #tpu.memory_space<hbm>>) target(%arg9 : memref<32xi32, #tpu.memory_space<vmem>>) offsets(%arg7 : memref<32xi32, #tpu.memory_space<vmem>>) semaphore(%arg11 : memref<!tpu.dma_semaphore, #tpu.memory_space<semaphore_mem>>)
    %dma_wait3A = arith.constant 0 : i32
    %dma_wait3A_7 = arith.constant 0 : i32
    %dma_wait3A_8 = tpu.memref_slice %arg2[%dma_wait3A, %dma_wait3A_7] : memref<65536x128xf32, #tpu.memory_space<hbm>> -> memref<65536x128xf32, #tpu.memory_space<hbm>>
    tpu.wait_indirect_dma semaphore(%arg10 : memref<!tpu.dma_semaphore, #tpu.memory_space<semaphore_mem>>) src(%dma_wait3A_8 : memref<65536x128xf32, #tpu.memory_space<hbm>>) dst(%arg8 : memref<32x128xf32, #tpu.memory_space<vmem>>)
    %dma_wait3A_9 = arith.constant 0 : i32
    %dma_wait3A_10 = tpu.memref_slice %arg4[%dma_wait3A_9] : memref<65536xi32, #tpu.memory_space<hbm>> -> memref<65536xi32, #tpu.memory_space<hbm>>
    tpu.wait_indirect_dma semaphore(%arg11 : memref<!tpu.dma_semaphore, #tpu.memory_space<semaphore_mem>>) src(%dma_wait3A_10 : memref<65536xi32, #tpu.memory_space<hbm>>) dst(%arg9 : memref<32xi32, #tpu.memory_space<vmem>>)
    "tpu.region"() ({
      %run_scoped3A = tpu.sem_alloc : memref<!tpu.dma_semaphore, #tpu.memory_space<semaphore_mem>>
      %dma_start3A_11 = arith.constant 0 : i32
      %dma_start3A_12 = tpu.memref_slice %arg5[%mul3A_2, %dma_start3A_11] : memref<1024x128xf32, #tpu.memory_space<hbm>> -> memref<32x128xf32, #tpu.memory_space<hbm>>
      %dma_start3A_13 = arith.constant 0 : i32
      %dma_start3A_14 = tpu.memref_slice %arg5[%mul3A_2, %dma_start3A_13] : memref<1024x128xf32, #tpu.memory_space<hbm>> -> memref<32x128xf32, #tpu.memory_space<hbm>>
      tpu.enqueue_dma source(%arg8 : memref<32x128xf32, #tpu.memory_space<vmem>>) target(%dma_start3A_14 : memref<32x128xf32, #tpu.memory_space<hbm>>) target_semaphore(%run_scoped3A : memref<!tpu.dma_semaphore, #tpu.memory_space<semaphore_mem>>)
      %dma_wait3A_15 = arith.constant 0 : i32
      %dma_wait3A_16 = tpu.memref_slice %arg5[%mul3A_2, %dma_wait3A_15] : memref<1024x128xf32, #tpu.memory_space<hbm>> -> memref<32x128xf32, #tpu.memory_space<hbm>>
      %dma_wait3A_17 = arith.constant 0 : i32
      %dma_wait3A_18 = tpu.memref_slice %arg5[%mul3A_2, %dma_wait3A_17] : memref<1024x128xf32, #tpu.memory_space<hbm>> -> memref<32x128xf32, #tpu.memory_space<hbm>>
      tpu.wait_dma2 semaphore(%run_scoped3A : memref<!tpu.dma_semaphore, #tpu.memory_space<semaphore_mem>>) src(%arg8 : memref<32x128xf32, #tpu.memory_space<vmem>>) dst(%dma_wait3A_18 : memref<32x128xf32, #tpu.memory_space<hbm>>)
      tpu.yield
    }) : () -> ()
    "tpu.region"() ({
      %run_scoped3A = tpu.sem_alloc : memref<!tpu.dma_semaphore, #tpu.memory_space<semaphore_mem>>
      %dma_start3A_11 = tpu.memref_slice %arg6[%mul3A_2] : memref<1024xi32, #tpu.memory_space<hbm>> -> memref<32xi32, #tpu.memory_space<hbm>>
      %dma_start3A_12 = tpu.memref_slice %arg6[%mul3A_2] : memref<1024xi32, #tpu.memory_space<hbm>> -> memref<32xi32, #tpu.memory_space<hbm>>
      tpu.enqueue_dma source(%arg9 : memref<32xi32, #tpu.memory_space<vmem>>) target(%dma_start3A_12 : memref<32xi32, #tpu.memory_space<hbm>>) target_semaphore(%run_scoped3A : memref<!tpu.dma_semaphore, #tpu.memory_space<semaphore_mem>>)
      %dma_wait3A_13 = tpu.memref_slice %arg6[%mul3A_2] : memref<1024xi32, #tpu.memory_space<hbm>> -> memref<32xi32, #tpu.memory_space<hbm>>
      %dma_wait3A_14 = tpu.memref_slice %arg6[%mul3A_2] : memref<1024xi32, #tpu.memory_space<hbm>> -> memref<32xi32, #tpu.memory_space<hbm>>
      tpu.wait_dma2 semaphore(%run_scoped3A : memref<!tpu.dma_semaphore, #tpu.memory_space<semaphore_mem>>) src(%arg9 : memref<32xi32, #tpu.memory_space<vmem>>) dst(%dma_wait3A_14 : memref<32xi32, #tpu.memory_space<hbm>>)
      tpu.yield
    }) : () -> ()
    return
  }
}

module attributes {stable_mosaic.version = 14 : i64} {
  func.func @_main_body(%arg0: i32, %arg1: memref<1024x128xf32, #tpu.memory_space<vmem>>, %arg2: memref<8192x128xf32, #tpu.memory_space<vmem>>, %arg3: memref<1x8192xi32, #tpu.memory_space<vmem>>, %arg4: memref<1024x8xf32, #tpu.memory_space<vmem>>, %arg5: memref<1024x128xbf16, #tpu.memory_space<vmem>>) attributes {dimension_semantics = [#tpu.dimension_semantics<arbitrary>], iteration_bounds = array<i64: 8>, scalar_prefetch = 0 : i64, scratch_operands = 1 : i64, tpu.core_type = #tpu.core_type<tc>, window_params = [{pipeline_mode = #tpu.pipeline_mode<synchronous>, transform_indices = @transform_0, window_bounds = array<i64: 1024, 128>}, {transform_indices = @transform_1, window_bounds = array<i64: 8192, 128>}, {transform_indices = @transform_2, window_bounds = array<i64: 1, 8192>}, {pipeline_mode = #tpu.pipeline_mode<synchronous>, transform_indices = @transform_3, window_bounds = array<i64: 1024, 8>}]} {
    %eq3A = arith.constant 0 : i32
    %eq3A_0 = arith.cmpi eq, %arg0, %eq3A : i32
    %convert_element_type3A = arith.extui %eq3A_0 : i1 to i32
    %cond3A = arith.constant 0 : i32
    %cond3A_1 = arith.cmpi ne, %convert_element_type3A, %cond3A : i32
    scf.if %cond3A_1 {
      %get3A_30 = arith.constant 0 : index
      %get3A_31 = arith.constant 0 : index
      %get3A_32 = vector.load %arg1[%get3A_30, %get3A_31] : memref<1024x128xf32, #tpu.memory_space<vmem>>, vector<1024x128xf32>
      %mul3A = arith.constant 20.60993 : f32
      %mul3A_33 = vector.broadcast %mul3A : f32 to vector<1024x128xf32>
      %mul3A_34 = arith.mulf %get3A_32, %mul3A_33 : vector<1024x128xf32>
      %convert_element_type3A_35 = arith.truncf %mul3A_34 : vector<1024x128xf32> to vector<1024x128xbf16>
      %swap3A = arith.constant 0 : index
      %swap3A_36 = arith.constant 0 : index
      %swap3A_37 = vector.load %arg5[%swap3A, %swap3A_36] : memref<1024x128xbf16, #tpu.memory_space<vmem>>, vector<1024x128xbf16>
      tpu.vector_store %arg5[%swap3A, %swap3A_36], %convert_element_type3A_35 {strides = array<i32>} : memref<1024x128xbf16, #tpu.memory_space<vmem>>, vector<1024x128xbf16>,
    } else {
    }
    %get3A = arith.constant 0 : index
    %get3A_2 = arith.constant 0 : index
    %get3A_3 = vector.load %arg5[%get3A, %get3A_2] : memref<1024x128xbf16, #tpu.memory_space<vmem>>, vector<1024x128xbf16>
    %get3A_4 = arith.constant 0 : index
    %get3A_5 = arith.constant 0 : index
    %get3A_6 = vector.load %arg2[%get3A_4, %get3A_5] : memref<8192x128xf32, #tpu.memory_space<vmem>>, vector<8192x128xf32>
    %convert_element_type3A_7 = arith.truncf %get3A_6 : vector<8192x128xf32> to vector<8192x128xbf16>
    %dot_general3A = arith.constant dense<0.000000e+00> : vector<1024x8192xf32>
    %dot_general3A_8 = tpu.matmul %get3A_3, %convert_element_type3A_7, %dot_general3A {dimension_numbers = #tpu.dot_dimension_numbers<[1], [1], [0], [0], [0, 0, 1, 0], [], []>, transpose_lhs_hint = false} : vector<1024x128xbf16>, vector<8192x128xbf16>, vector<1024x8192xf32> -> vector<1024x8192xf32>
    %convert_element_type3A_9 = arith.truncf %dot_general3A_8 : vector<1024x8192xf32> to vector<1024x8192xbf16>
    %iota3A = tpu.iota {dimensions = array<i32: 0>} : vector<8x8192xi32>
    %get3A_10 = arith.constant 0 : index
    %get3A_11 = arith.constant 0 : index
    %get3A_12 = vector.load %arg3[%get3A_10, %get3A_11] : memref<1x8192xi32, #tpu.memory_space<vmem>>, vector<1x8192xi32>
    %get3A_13 = vector.shape_cast %get3A_12 : vector<1x8192xi32> to vector<8192xi32>
    %broadcast_in_dim3A = vector.shape_cast %get3A_13 : vector<8192xi32> to vector<1x8192xi32>
    %eq3A_14 = vector.broadcast %broadcast_in_dim3A : vector<1x8192xi32> to vector<8x8192xi32>
    %eq3A_15 = arith.cmpi eq, %iota3A, %eq3A_14 : vector<8x8192xi32>
    %convert_element_type3A_16 = arith.extui %eq3A_15 : vector<8x8192xi1> to vector<8x8192xi32>
    %convert_element_type3A_17 = arith.sitofp %convert_element_type3A_16 : vector<8x8192xi32> to vector<8x8192xf32>
    %convert_element_type3A_18 = arith.truncf %convert_element_type3A_17 : vector<8x8192xf32> to vector<8x8192xbf16>
    %exp23A = math.exp2 %convert_element_type3A_9 : vector<1024x8192xbf16>
    %dot_general3A_19 = arith.constant dense<0.000000e+00> : vector<1024x8xf32>
    %dot_general3A_20 = tpu.matmul %exp23A, %convert_element_type3A_18, %dot_general3A_19 {dimension_numbers = #tpu.dot_dimension_numbers<[1], [1], [0], [0], [0, 0, 1, 0], [], []>, transpose_lhs_hint = false} : vector<1024x8192xbf16>, vector<8x8192xbf16>, vector<1024x8xf32> -> vector<1024x8xf32>
    %eq3A_21 = arith.constant 0 : i32
    %eq3A_22 = arith.cmpi eq, %arg0, %eq3A_21 : i32
    %convert_element_type3A_23 = arith.extui %eq3A_22 : i1 to i32
    %cond3A_24 = arith.constant 0 : i32
    %cond3A_25 = arith.cmpi ne, %convert_element_type3A_23, %cond3A_24 : i32
    scf.if %cond3A_25 {
      %swap3A = arith.constant 0 : index
      %swap3A_30 = arith.constant 0 : index
      %swap3A_31 = vector.load %arg4[%swap3A, %swap3A_30] : memref<1024x8xf32, #tpu.memory_space<vmem>>, vector<1024x8xf32>
      tpu.vector_store %arg4[%swap3A, %swap3A_30], %dot_general3A_20 {strides = array<i32>} : memref<1024x8xf32, #tpu.memory_space<vmem>>, vector<1024x8xf32>,
    } else {
    }
    %ne3A = arith.constant 0 : i32
    %ne3A_26 = arith.cmpi ne, %arg0, %ne3A : i32
    %convert_element_type3A_27 = arith.extui %ne3A_26 : i1 to i32
    %cond3A_28 = arith.constant 0 : i32
    %cond3A_29 = arith.cmpi ne, %convert_element_type3A_27, %cond3A_28 : i32
    scf.if %cond3A_29 {
      %get3A_30 = arith.constant 0 : index
      %get3A_31 = arith.constant 0 : index
      %get3A_32 = vector.load %arg4[%get3A_30, %get3A_31] : memref<1024x8xf32, #tpu.memory_space<vmem>>, vector<1024x8xf32>
      %add3A = arith.addf %get3A_32, %dot_general3A_20 : vector<1024x8xf32>
      %swap3A = arith.constant 0 : index
      %swap3A_33 = arith.constant 0 : index
      %swap3A_34 = vector.load %arg4[%swap3A, %swap3A_33] : memref<1024x8xf32, #tpu.memory_space<vmem>>, vector<1024x8xf32>
      tpu.vector_store %arg4[%swap3A, %swap3A_33], %add3A {strides = array<i32>} : memref<1024x8xf32, #tpu.memory_space<vmem>>, vector<1024x8xf32>,
    } else {
    }
    return
  }
  func.func @transform_0(%arg0: i32) -> (i32, i32) {
    %c0_i32 = arith.constant 0 : i32
    %c0_i32_0 = arith.constant 0 : i32
    %c0_i32_1 = arith.constant 0 : i32
    return %c0_i32, %c0_i32_0 : i32, i32
  }
  func.func @transform_1(%arg0: i32) -> (i32, i32) {
    %c0_i32 = arith.constant 0 : i32
    %c0_i32_0 = arith.constant 0 : i32
    return %arg0, %c0_i32 : i32, i32
  }
  func.func @transform_2(%arg0: i32) -> (i32, i32) {
    %c0_i32 = arith.constant 0 : i32
    %c0_i32_0 = arith.constant 0 : i32
    return %c0_i32, %arg0 : i32, i32
  }
  func.func @transform_3(%arg0: i32) -> (i32, i32) {
    %c0_i32 = arith.constant 0 : i32
    %c0_i32_0 = arith.constant 0 : i32
    %c0_i32_1 = arith.constant 0 : i32
    return %c0_i32, %c0_i32_0 : i32, i32
  }
}

module attributes {stable_mosaic.version = 14 : i64} {
  func.func @_epilogue_body(%arg0: memref<1024x128xf32, #tpu.memory_space<vmem>>, %arg1: memref<1024x128xf32, #tpu.memory_space<vmem>>, %arg2: memref<1024x8xf32, #tpu.memory_space<vmem>>, %arg3: memref<1024x1xi32, #tpu.memory_space<vmem>>, %arg4: memref<1024x1xi32, #tpu.memory_space<vmem>>, %arg5: memref<1x1xf32, #tpu.memory_space<vmem>>) attributes {dimension_semantics = [], scalar_prefetch = 0 : i64, scratch_operands = 0 : i64, tpu.core_type = #tpu.core_type<tc>} {
    %get3A = arith.constant 0 : index
    %get3A_0 = arith.constant 0 : index
    %get3A_1 = vector.load %arg2[%get3A, %get3A_0] : memref<1024x8xf32, #tpu.memory_space<vmem>>, vector<1024x8xf32>
    %get3A_2 = arith.constant 0 : index
    %get3A_3 = arith.constant 0 : index
    %get3A_4 = vector.load %arg0[%get3A_2, %get3A_3] : memref<1024x128xf32, #tpu.memory_space<vmem>>, vector<1024x128xf32>
    %get3A_5 = arith.constant 0 : index
    %get3A_6 = arith.constant 0 : index
    %get3A_7 = vector.load %arg1[%get3A_5, %get3A_6] : memref<1024x128xf32, #tpu.memory_space<vmem>>, vector<1024x128xf32>
    %mul3A = arith.mulf %get3A_4, %get3A_7 : vector<1024x128xf32>
    %reduce_sum3A = arith.constant dense<0.000000e+00> : vector<1024xf32>
    %reduce_sum3A_8 = vector.multi_reduction <add>, %mul3A, %reduce_sum3A [1] : vector<1024x128xf32> to vector<1024xf32>
    %broadcast_in_dim3A = vector.shape_cast %reduce_sum3A_8 : vector<1024xf32> to vector<1024x1xf32>
    %mul3A_9 = arith.constant 14.2857141 : f32
    %mul3A_10 = vector.broadcast %mul3A_9 : f32 to vector<1024x1xf32>
    %mul3A_11 = arith.mulf %broadcast_in_dim3A, %mul3A_10 : vector<1024x1xf32>
    %iota3A = tpu.iota {dimensions = array<i32: 1>} : vector<1024x8xi32>
    %get3A_12 = arith.constant 0 : index
    %get3A_13 = arith.constant 0 : index
    %get3A_14 = vector.load %arg4[%get3A_12, %get3A_13] : memref<1024x1xi32, #tpu.memory_space<vmem>>, vector<1024x1xi32>
    %eq3A = vector.broadcast %get3A_14 : vector<1024x1xi32> to vector<1024x8xi32>
    %eq3A_15 = arith.cmpi eq, %iota3A, %eq3A : vector<1024x8xi32>
    %convert_element_type3A = arith.extui %eq3A_15 : vector<1024x8xi1> to vector<1024x8xi32>
    %convert_element_type3A_16 = arith.sitofp %convert_element_type3A : vector<1024x8xi32> to vector<1024x8xf32>
    %reduce_sum3A_17 = arith.constant dense<0.000000e+00> : vector<8xf32>
    %reduce_sum3A_18 = vector.multi_reduction <add>, %convert_element_type3A_16, %reduce_sum3A_17 [0] : vector<1024x8xf32> to vector<8xf32>
    %broadcast_in_dim3A_19 = vector.shape_cast %reduce_sum3A_18 : vector<8xf32> to vector<1x8xf32>
    %max3A = arith.constant 1.000000e+00 : f32
    %max3A_20 = vector.broadcast %max3A : f32 to vector<1x8xf32>
    %max3A_21 = arith.maximumf %broadcast_in_dim3A_19, %max3A_20 : vector<1x8xf32>
    %div3A = arith.constant 1.000000e+00 : f32
    %div3A_22 = vector.broadcast %div3A : f32 to vector<1x8xf32>
    %div3A_23 = arith.divf %div3A_22, %max3A_21 : vector<1x8xf32>
    %gt3A = arith.constant 0.000000e+00 : f32
    %gt3A_24 = vector.broadcast %gt3A : f32 to vector<1024x8xf32>
    %gt3A_25 = arith.cmpf ogt, %get3A_1, %gt3A_24 : vector<1024x8xf32>
    %jit3A = arith.constant 1.000000e+00 : f32
    %broadcast_in_dim3A_26 = vector.broadcast %jit3A : f32 to vector<1024x8xf32>
    %select_n3A = arith.select %gt3A_25, %get3A_1, %broadcast_in_dim3A_26 : vector<1024x8xi1>, vector<1024x8xf32>
    %log3A = math.log %select_n3A : vector<1024x8xf32>
    %log3A_27 = arith.constant 2.000000e+00 : f32
    %log3A_28 = math.log %log3A_27 : f32
    %div3A_29 = vector.broadcast %log3A_28 : f32 to vector<1024x8xf32>
    %div3A_30 = arith.divf %log3A, %div3A_29 : vector<1024x8xf32>
    %mul3A_31 = arith.constant 0.693147182 : f32
    %mul3A_32 = vector.broadcast %mul3A_31 : f32 to vector<1024x8xf32>
    %mul3A_33 = arith.mulf %div3A_30, %mul3A_32 : vector<1024x8xf32>
    %mul3A_34 = arith.mulf %convert_element_type3A_16, %mul3A_33 : vector<1024x8xf32>
    %reduce_sum3A_35 = arith.constant dense<0.000000e+00> : vector<1024xf32>
    %reduce_sum3A_36 = vector.multi_reduction <add>, %mul3A_34, %reduce_sum3A_35 [1] : vector<1024x8xf32> to vector<1024xf32>
    %broadcast_in_dim3A_37 = vector.shape_cast %reduce_sum3A_36 : vector<1024xf32> to vector<1024x1xf32>
    %mul3A_38 = vector.broadcast %div3A_23 : vector<1x8xf32> to vector<1024x8xf32>
    %mul3A_39 = arith.mulf %convert_element_type3A_16, %mul3A_38 : vector<1024x8xf32>
    %reduce_sum3A_40 = arith.constant dense<0.000000e+00> : vector<1024xf32>
    %reduce_sum3A_41 = vector.multi_reduction <add>, %mul3A_39, %reduce_sum3A_40 [1] : vector<1024x8xf32> to vector<1024xf32>
    %broadcast_in_dim3A_42 = vector.shape_cast %reduce_sum3A_41 : vector<1024xf32> to vector<1024x1xf32>
    %get3A_43 = arith.constant 0 : index
    %get3A_44 = arith.constant 0 : index
    %get3A_45 = vector.load %arg3[%get3A_43, %get3A_44] : memref<1024x1xi32, #tpu.memory_space<vmem>>, vector<1024x1xi32>
    %get3A_46 = arith.constant 0 : index
    %get3A_47 = arith.constant 0 : index
    %get3A_48 = vector.load %arg4[%get3A_46, %get3A_47] : memref<1024x1xi32, #tpu.memory_space<vmem>>, vector<1024x1xi32>
    %eq3A_49 = arith.cmpi eq, %get3A_45, %get3A_48 : vector<1024x1xi32>
    %sub3A = arith.subf %broadcast_in_dim3A_37, %mul3A_11 : vector<1024x1xf32>
    %mul3A_50 = arith.mulf %sub3A, %broadcast_in_dim3A_42 : vector<1024x1xf32>
    %jit3A_51 = arith.constant 0.000000e+00 : f32
    %broadcast_in_dim3A_52 = vector.broadcast %jit3A_51 : f32 to vector<1024x1xf32>
    %select_n3A_53 = arith.select %eq3A_49, %mul3A_50, %broadcast_in_dim3A_52 : vector<1024x1xi1>, vector<1024x1xf32>
    %reduce_sum3A_54 = arith.constant dense<0.000000e+00> : vector<1xf32>
    %reduce_sum3A_55 = vector.multi_reduction <add>, %select_n3A_53, %reduce_sum3A_54 [0] : vector<1024x1xf32> to vector<1xf32>
    %broadcast_in_dim3A_56 = vector.shape_cast %reduce_sum3A_55 : vector<1xf32> to vector<1x1xf32>
    %swap3A = arith.constant 0 : index
    %swap3A_57 = arith.constant 0 : index
    %swap3A_58 = vector.load %arg5[%swap3A, %swap3A_57] : memref<1x1xf32, #tpu.memory_space<vmem>>, vector<1x1xf32>
    tpu.vector_store %arg5[%swap3A, %swap3A_57], %broadcast_in_dim3A_56 {strides = array<i32>} : memref<1x1xf32, #tpu.memory_space<vmem>>, vector<1x1xf32>,
    return
  }
}

</mosaic_0001>

<sc_bundles>
// kernel: kernel.5.cloned.1.call-start
scs
__scs_entry_jumppad:
0x0: {  	(pc) =	sbr.rel $0x88, $3  }
0x1: {  	(tag) =	ssettag $0x0;
	lr =	simm.s32 $0x1  }
0x2: {  	[smem:$0x3F9C] =	sst lr;
	_ =	strace $0xD0000000  }
0x3: {  	_ = 	snop  }
0x4: {  	_ = 	snop  }
0x5: {  	_ = 	snop  }
0x6: {  	_ = 	snop  }
0x7: {  	_ = 	snop  }
__scs_overlays_trampoline_lowered:
0x8: {  	[smem:$0x3FAB] =	sst s0  }
0x9: {  	[smem:$0x3FAC] =	sst s1  }
0xa: {  	[smem:$0x3FAD] =	sst s2  }
0xb: {  	[smem:$0x3FAE] =	sst s3  }
0xc: {  	[smem:$0x3FAF] =	sst s4  }
0xd: {  	[smem:$0x3FB0] =	sst s5  }
0xe: {  	[smem:$0x3FB1] =	sst s6  }
0xf: {  	[smem:$0x3FB2] =	sst s7  }
0x10: {  	[smem:$0x3FB3] =	sst s8  }
0x11: {  	[smem:$0x3FB4] =	sst s9;
	s0 =	simm.s32 @!p0 $0x0  }
0x12: {  	s1 =	sld [smem:$0x3F9A];
	s0 =	simm.s32 @p0 $0x1  }
0x13: {  	[smem:$0x3FB5] =	sst s0;
	s0 =	simm.s32 @!p1 $0x0  }
0x14: {  	s2 =	sld [smem:$0x3F99];
	s0 =	simm.s32 @p1 $0x1  }
0x15: {  	[smem:$0x3FB6] =	sst s0;
	s0 =	simm.s32 @!p2 $0x0  }
0x16: {  	s3 =	sld [smem:$0x3FDB];
	s0 =	simm.s32 @p2 $0x1  }
0x17: {  	s4 =	simm.s32 $0x1BF5;
	[smem:$0x3FB8] =	sst s0  }
0x18: {  	s0 =	sld [smem:$0x3F9B];
	_ =	swait.ge [sflag:s4], $0x0  }
0x19: {  	s7 =	sld [smem:$0x3F9C]  }
0x1a: {  	s8 =	sadd.s32 $0xFFFFE003, lr  }
0x1b: {  	s9 =	sadd.s32 $0xFFFFFEF7, lr;
	s5 =	simm.s32 $0xFFFFFFFF;
	p2 =	slt.u32 s8, $0xFFFFF086  }
0x1c: {  	p1 =	slt.u32 s9, $0xF7A;
	s5 =	simm.s32 @!p2 $0x0  }
0x1d: {  	s5 =	simm.s32 @p1 $0x1;
	p0 =	seq.s32 s7, s2  }
0x1e: {  	s7 =	smul.u32 @!p0 $0xF7A, s2;
	p2 =	seq.s32 @!p0 s5, $0x0  }
0x1f: {  	s9 =	smul.u32 $0xF7A, s1;
	s8 =	simm.s32 @!p0 $0x1BF5;
	p2 =	por !p2, p0  }
0x20: {  	[sflag:s8] =	ssyncset.s32 @!p0 $0xFFFFF086;
	s6 =	sadd.s32 @!p0 s3, s7;
	s7 =	simm.s32 @!p0 $0x108  }
0x21: {  	s3 =	sadd.s32 s3, s9;
	s6 =	sadd.s32 @!p0 $0x88, s6;
	s7 =	simm.s32 @p2 $0x1082  }
0x22: {  	[simem:s7], [sflag:s8] =	dma.local @!p0 [hbm:s6], $0xF7A  }
0x23: {  	s9 =	sor.u32 $0xD0000000, s2;
	s6 =	simm.s32 $0x108;
	_ =	swait.ge @!p0 [sflag:s8], $0x0  }
0x24: {  	s3 =	sadd.s32 $0x88, s3;
	s6 =	simm.s32 @!p1 $0x1082;
	[sflag:s4] =	ssyncset.s32 $0xFFFFF086  }
0x25: {  	[simem:s6], [sflag:s4] =	dma.local [hbm:s3], $0xF7A  }
0x26: {  	[smem:$0x3F9C] =	sst s1;
	(tag) =	ssettag s2;
	_ =	strace s9  }
0x27: {  	s1 =	sld [smem:$0x3FAC]  }
0x28: {  	s2 =	sld [smem:$0x3FAD]  }
0x29: {  	s4 =	sld [smem:$0x3FAF]  }
0x2a: {  	p0 =	seq.s32 s5, $0x0;
	s5 =	sld [smem:$0x3FB0]  }
0x2b: {  	s6 =	sld [smem:$0x3FB1]  }
0x2c: {  	s7 =	sld [smem:$0x3FB2]  }
0x2d: {  	s3 =	simm.s32 $0x108;
	s8 =	sld [smem:$0x3FB3]  }
0x2e: {  	s3 =	simm.s32 @!p0 $0x1082;
	s9 =	sld [smem:$0x3FB4]  }
0x2f: {  	lr =	sadd.s32 s0, s3;
	s0 =	sld [smem:$0x3FAB]  }
0x30: {  	s3 =	sld [smem:$0x3FAE]  }
0x31: {  	[smem:$0x3FB7] =	sst s10  }
0x32: {  	s10 =	sld [smem:$0x3FB5];
	_ =	sdelay $0x3  }
0x33: {  	p0 =	seq.s32 s10, $0x1;
	s10 =	sld [smem:$0x3FB7];
	_ =	sdelay $0x3  }
0x34: {  	[smem:$0x3FB7] =	sst s10  }
0x35: {  	s10 =	sld [smem:$0x3FB6];
	_ =	sdelay $0x3  }
0x36: {  	p1 =	seq.s32 s10, $0x1;
	s10 =	sld [smem:$0x3FB7];
	_ =	sdelay $0x3  }
0x37: {  	[smem:$0x3FB7] =	sst s10  }
0x38: {  	s10 =	sld [smem:$0x3FB8]  }
0x39: {  	_ = 	snop;
	(pc) =	sbr.ind lr, $3  }
0x3a: {  	_ = 	snop  }
0x3b: {  	_ = 	snop  }
0x3c: {  	p2 =	seq.s32 s10, $0x1;
	s10 =	sld [smem:$0x3FB7]  }
0x3d: {  	_ =	shalt  }
0x3e: {  	_ =	shalt  }
0x3f: {  	_ =	shalt  }
0x40: {  	_ =	shalt  }
0x41: {  	_ =	shalt  }
0x42: {  	_ =	shalt  }
0x43: {  	_ =	shalt  }
0x44: {  	_ =	shalt  }
0x45: {  	_ =	shalt  }
0x46: {  	_ =	shalt  }
0x47: {  	_ =	shalt  }
0x48: {  	_ =	shalt  }
0x49: {  	_ =	shalt  }
0x4a: {  	_ =	shalt  }
0x4b: {  	_ =	shalt  }
0x4c: {  	_ =	shalt  }
0x4d: {  	_ =	shalt  }
0x4e: {  	_ =	shalt  }
0x4f: {  	_ =	shalt  }
0x50: {  	_ =	shalt  }
0x51: {  	_ =	shalt  }
0x52: {  	_ =	shalt  }
0x53: {  	_ =	shalt  }
0x54: {  	_ =	shalt  }
0x55: {  	_ =	shalt  }
0x56: {  	_ =	shalt  }
0x57: {  	_ =	shalt  }
0x58: {  	_ =	shalt  }
0x59: {  	_ =	shalt  }
0x5a: {  	_ =	shalt  }
0x5b: {  	_ =	shalt  }
0x5c: {  	_ =	shalt  }
0x5d: {  	_ =	shalt  }
0x5e: {  	_ =	shalt  }
0x5f: {  	_ =	shalt  }
0x60: {  	_ =	shalt  }
0x61: {  	_ =	shalt  }
0x62: {  	_ =	shalt  }
0x63: {  	_ =	shalt  }
0x64: {  	_ =	shalt  }
0x65: {  	_ =	shalt  }
0x66: {  	_ =	shalt  }
0x67: {  	_ =	shalt  }
0x68: {  	_ =	shalt  }
0x69: {  	_ =	shalt  }
0x6a: {  	_ =	shalt  }
0x6b: {  	_ =	shalt  }
0x6c: {  	_ =	shalt  }
0x6d: {  	_ =	shalt  }
0x6e: {  	_ =	shalt  }
0x6f: {  	_ =	shalt  }
0x70: {  	_ =	shalt  }
0x71: {  	_ =	shalt  }
0x72: {  	_ =	shalt  }
0x73: {  	_ =	shalt  }
0x74: {  	_ =	shalt  }
0x75: {  	_ =	shalt  }
0x76: {  	_ =	shalt  }
0x77: {  	_ =	shalt  }
0x78: {  	_ =	shalt  }
0x79: {  	_ =	shalt  }
0x7a: {  	_ =	shalt  }
0x7b: {  	_ =	shalt  }
0x7c: {  	_ =	shalt  }
0x7d: {  	_ =	shalt  }
0x7e: {  	_ =	shalt  }
0x7f: {  	_ =	shalt  }
0x80: {  	_ =	shalt  }
0x81: {  	_ =	shalt  }
0x82: {  	_ =	shalt  }
0x83: {  	_ =	shalt  }
0x84: {  	_ =	shalt  }
0x85: {  	_ =	shalt  }
0x86: {  	_ =	shalt  }
0x87: {  	_ =	shalt  }
.Lfunc_end0:
.L_simem_size_0:
called_computation_lowered:
.L_overlay_start_0:
0x88: {  	s2 =	sld [smem:$0x3FD9]  }
0x89: {  	s3 =	sld [smem:$0x3FFE];
	_ =	sdelay $0x1  }
0x8a: {  	s1 =	srdreg.scid  }
0x8b: {  	s0 =	sand.u32 $0x1, s1  }
0x8c: {  	s17 =	sshll.u32 s0, $0xA;
	s2 =	sadd.s32 s3, s2  }
0x8d: {  	s2 =	sadd.s32 s2, s17  }
0x8e: {  	[smem:$0x3FC3] =	sst s2  }
0x8f: {  	_ = 	snop  }
0x90: {  	s2 =	sld [smem:$0x3FC8]  }
0x91: {  	s18 =	sld [smem:$0x3FC6]  }
0x92: {  	s4 =	sld [smem:$0x3FC5];
	(tm) =	ssettm $0x1  }
0x93: {  	s5 =	sld [smem:$0x3FFB];
	_ =	sdelay $0x3  }
0x94: {  	_ =	strace s5  }
0x95: {  	s5 =	sld [smem:$0x3FFC];
	_ =	sdelay $0x3  }
0x96: {  	_ =	strace s5  }
0x97: {  	s5 =	sld [smem:$0x3FFD];
	_ =	sdelay $0x3  }
0x98: {  	_ =	strace s5  }
0x99: {  	_ =	strace $0x8FFFFFFF  }
0x9a: {  	s19 =	sld [smem:$0x3FDB];
	_ =	sdelay $0x1  }
0x9b: {  	s6 =	simm.s32 $_scs_section_size  }
0x9c: {  	s7 =	simm.s32 $_size__tile_overlayer_lowered;
	s8 =	simm.s32 $_tile_overlayer_lowered  }
0x9d: {  	s22 =	simm.s32 $0x1BFF;
	s21 =	sshll.u32 s8, $0x1;
	s5 =	sadd.s32 s6, s19  }
0x9e: {  	s9 =	simm.s32 $0x0;
	s20 =	sshll.u32 s7, $0x1;
	s7 =	sadd.s32 s21, s5  }
0x9f: {  	[timem:s9], [sflag:s22] =	dma.local [hbm:s7], s20  }
0xa0: {  	_ =	swait.ge [sflag:s22], s20  }
0xa1: {  	s6 =	ssub.s32 $0x0, s20;
	[sflag:s22] =	ssyncset.done $0x0  }
0xa2: {  	[sflag:s22] =	ssyncadd.s32 s6;
	_ =	sdelay $0x1  }
0xa3: {  	s23 =	simm.s32 $0x1B8B  }
0xa4: {  	_ =	swait.ge [sflag:s23], $0x1  }
0xa5: {  	[sflag:s23] =	ssyncset.done $0x0  }
0xa6: {  	s25 =	simm.s32 $0x1B8E;
	s24 =	sld [smem:$0x3FFE];
	[sflag:s23] =	ssyncadd.s32 $0xFFFFFFFF  }
0xa7: {  	s26 =	simm.s32 $execute0_lowered;
	[smem:$0x3FD2] =	sst s25  }
0xa8: {  	s7 =	sshll.u32 s26, $0x1;
	_ =	strace $0x80000046;
	[dreg:$0x1] =	wrdreg $0xFFFFFFFF  }
0xa9: {  	s28 =	simm.s32 $_size_execute0_lowered;
	s5 =	sadd.s32 s5, s7;
	[dreg:$0x0] =	wrdreg $0x0  }
0xaa: {  	s7 =	sshll.u32 s28, $0x1;
	[dreg:$0x2] =	wrdreg s5  }
0xab: {  	[dreg:$0x3] =	wrdreg s7  }
0xac: {  	[dreg:$0x4] =	wrdreg $0xC0  }
0xad: {  	_ =	task [dreg:s9], $0x5FFFF  }
0xae: {  	[dreg:$0x1] =	wrdreg $0xFFFFFFFF  }
0xaf: {  	[dreg:$0x0] =	wrdreg $0x60  }
0xb0: {  	[dreg:$0x2] =	wrdreg s18  }
0xb1: {  	[dreg:$0x3] =	wrdreg s2  }
0xb2: {  	[dreg:$0x4] =	wrdreg s4  }
0xb3: {  	[dreg:$0x5] =	wrdreg s24  }
0xb4: {  	[dreg:$0x6] =	wrdreg $0x9  }
0xb5: {  	_ =	task.clear_ibuf [dreg:s9], $0x7FFFF;
	_ =	strace $0x90000046  }
0xb6: {  	s29 =	simm.s32 $0x9;
	_ =	strace $0x80000048  }
0xb7: {  	_ =	swait.ge [sflag:s29], $0x1  }
0xb8: {  	[sflag:s29] =	ssyncadd.s32 $0xFFFFFFFF  }
0xb9: {  	_ =	strace $0x90000048  }
0xba: {  	_ =	sfence  }
0xbb: {  	s30 =	sld [smem:$0x0];
	_ =	sdelay $0x2  }
0xbc: {  	s31 =	sshll.u32 s1, $0xD;
	s1 =	sshrl.u32 s1, $0x2  }
0xbd: {  	s3 =	sand.u32 $0x4000, s31;
	s1 =	sadd.s32 s1, s30  }
0xbe: {  	s0 =	sor.u32 s3, s0;
	s1 =	sshll.u32 s1, $0x11  }
0xbf: {  	s0 =	sor.u32 s1, s0  }
0xc0: {  	s0 =	sadd.s32 $0x8F2B, s0  }
0xc1: {  	[sflag:s0] =	ssyncadd.remote.s32 $0x1  }
0xc2: {  	_ =	sfence.sel $0xFFFF  }
0xc3: {  	[dreg:$0x0] =	wrdreg $0xFFFFFFFF;
	(pc) =	sbr.abs _section_cstart, $3  }
0xc4: {  	[dreg:$0x1] =	wrdreg $0xFFFFFFFF  }
0xc5: {  	_ =	task.clear_ibuf [dreg:s9], $0x2FFFF;
	_ =	strace $0x9FFFFFFF  }
0xc6: {  	(tm) =	ssettm $0x7FFFFFFF  }
0xc7: {  	_ =	shalt  }
tec
execute0_lowered:
.L_overlay_start_1:
0x0: {  	(tag) =	ssettag $0x1  }
0x1: {  	s1 =	rddreg [dreg:$0x0]  }
0x2: {  	s5 =	rddreg [dreg:$0x1];
	s2 =	srdreg.scid  }
0x3: {  	s3 =	rddreg [dreg:$0x2];
	s0 =	stileid.u32;
	s12 =	sand.u32 $0x1, s2  }
0x4: {  	s13 =	rddreg [dreg:$0x3];
	s6 =	sshll.u32 s0, $0x6;
	s7 =	sshll.u32 s12, $0x5  }
0x5: {  	s4 =	simm.s32 $0x0;
	s2 =	rddreg [dreg:$0x4];
	s14 =	sor.u32 s7, s6  }
0x6: {  	[smem:$0x7FF] =	sst s4;
	s15 =	sshrl.u32 s14, $0x3  }
0x7: {  	_ =	strace $0x80000047;
	s6 =	sadd.s32 s5, s15;
	s5 =	simm.s32 $0x3  }
0x8: {  	[tilespmem:s4], [sflag:$0x3] =	stream.linear.gather [hbm4b:s6+s4], $0x20, $0x38;
	[tilespmem:$0x1100] =	vst v63  }
0x9: {  	_ =	swait.ge [sflag:s5], $0x20  }
0xa: {  	[sflag:s5] =	ssyncset.done $0x0  }
0xb: {  	s8 =	simm.s32 $0x80;
	s7 =	simm.s32 $0x20;
	[sflag:s5] =	ssyncadd.s32 $0xFFFFFFE0  }
0xc: {  	[tilespmem:s8], [sflag:$0x1] =	stream.indirect.gather [hbm4b:s1+s7], $0x80, s4, s7, $0xb8;
	[tilespmem:$0x1100] =	vst v63  }
0xd: {  	s9 =	simm.s32 $0x1080;
	s10 =	simm.s32 $0x1  }
0xe: {  	[tilespmem:s9], [sflag:$0x2] =	stream.indirect.gather [hbm4b:s3+s7], $0x1, s4, s7, $0xb8;
	[tilespmem:$0x1100] =	vst v63  }
0xf: {  	_ =	swait.ge [sflag:s10], $0x1000  }
0x10: {  	s11 =	simm.s32 $0x2;
	[sflag:s10] =	ssyncset.done $0x0  }
0x11: {  	s16 =	ssub.s32 $0x2, s12;
	s14 =	sshll.u32 s14, $0x4;
	[sflag:s10] =	ssyncadd.s32 $0xFFFFF000  }
0x12: {  	s31 =	sshrl.u32 s16, $0x1;
	s14 =	sadd.s32 s14, s13;
	_ =	swait.ge [sflag:s11], $0x20  }
0x13: {  	s12 =	sadd.s32 $0x1200, s14;
	s14 =	ssub.s32 s16, s31;
	[sflag:s11] =	ssyncset.done $0x0  }
0x14: {  	s14 =	smax.u32 s14, $0x1;
	[sflag:s11] =	ssyncadd.s32 $0xFFFFFFE0  }
0x15: {  	[hbm4b:s12+s4] =	stream.linear.scatter [tilespmem:s8], [sflag:$0x3], $0x1000, $0x38;
	[tilespmem:$0x1100] =	vst v63  }
0x16: {  	p0 =	sne.s32 s14, $0x1;
	_ =	swait.ge [sflag:s5], $0x1000  }
.Ltmp0:
0x17: {  	s13 =	sadd.s32 s15, s13;
	[sflag:s5] =	ssyncset.done $0x0;
	(pc) =	sbr.rel @!p0 .LBB2_2-.Ltmp0, $4  }
0x18: {  	s13 =	sadd.s32 $0x1000, s13;
	[sflag:s5] =	ssyncadd.s32 $0xFFFFF000  }
0x19: {  	[hbm4b:s13+s4] =	stream.linear.scatter [tilespmem:s9], [sflag:$0x3], $0x20, $0x38;
	[tilespmem:$0x1100] =	vst v63  }
0x1a: {  	_ =	swait.ge [sflag:s5], $0x20  }
0x1b: {  	s14 =	sadd.s32 $0xFFFFFFFF, s14;
	[sflag:s5] =	ssyncset.done $0x0  }
.LBB2_1:
0x1c: {  	p0 =	sne.s32 s14, $0x1;
	s14 =	sadd.s32 $0xFFFFFFFF, s14;
	[sflag:s5] =	ssyncadd.s32 $0xFFFFFFE0  }
0x1d: {  	[tilespmem:s4], [sflag:$0x3] =	stream.linear.gather [hbm4b:s6+s4], $0x20, $0x38;
	[tilespmem:$0x1100] =	vst v63  }
0x1e: {  	_ =	swait.ge [sflag:s5], $0x20  }
0x1f: {  	[sflag:s5] =	ssyncset.done $0x0  }
0x20: {  	[sflag:s5] =	ssyncadd.s32 $0xFFFFFFE0  }
0x21: {  	[tilespmem:s8], [sflag:$0x1] =	stream.indirect.gather [hbm4b:s1+s7], $0x80, s4, s7, $0xb8;
	[tilespmem:$0x1100] =	vst v63  }
0x22: {  	_ = 	snop  }
0x23: {  	[tilespmem:s9], [sflag:$0x2] =	stream.indirect.gather [hbm4b:s3+s7], $0x1, s4, s7, $0xb8;
	[tilespmem:$0x1100] =	vst v63  }
0x24: {  	_ =	swait.ge [sflag:s10], $0x1000  }
0x25: {  	[sflag:s10] =	ssyncset.done $0x0  }
0x26: {  	[sflag:s10] =	ssyncadd.s32 $0xFFFFF000  }
0x27: {  	_ =	swait.ge [sflag:s11], $0x20  }
0x28: {  	[sflag:s11] =	ssyncset.done $0x0  }
0x29: {  	[sflag:s11] =	ssyncadd.s32 $0xFFFFFFE0  }
0x2a: {  	[hbm4b:s12+s4] =	stream.linear.scatter [tilespmem:s8], [sflag:$0x3], $0x1000, $0x38;
	[tilespmem:$0x1100] =	vst v63  }
0x2b: {  	_ =	swait.ge [sflag:s5], $0x1000  }
.Ltmp1:
0x2c: {  	[sflag:s5] =	ssyncset.done $0x0;
	(pc) =	sbr.rel @p0 .LBB2_1-.Ltmp1, $4  }
0x2d: {  	[sflag:s5] =	ssyncadd.s32 $0xFFFFF000  }
0x2e: {  	[hbm4b:s13+s4] =	stream.linear.scatter [tilespmem:s9], [sflag:$0x3], $0x20, $0x38;
	[tilespmem:$0x1100] =	vst v63  }
0x2f: {  	_ =	swait.ge [sflag:s5], $0x20  }
0x30: {  	[sflag:s5] =	ssyncset.done $0x0  }
.LBB2_2:
0x31: {  	[sflag:s5] =	ssyncadd.s32 $0xFFFFFFE0  }
0x32: {  	_ =	sfence.sel $0x180000  }
0x33: {  	[bflag:$0x0] =	sbarrier.arrive $0xFFFF  }
0x34: {  	p0 =	sne.s32 s0, $0x0;
	_ =	strace $0x90000047  }
0x35: {  	s0 =	sadd.s32 @!p0 $0x100000, s2;
	[bflag:$0x2] =	sbarrier.arrive $0xFFFF  }
0x36: {  	[sflag:s0] =	ssyncadd.tile.s32 @!p0 $0x1;
	_ =	shalt  }
.Lfunc_end2:
_tile_overlayer_lowered:
.L_overlay_start_2:
0x37: {  	(tag) =	ssettag $0x2  }
0x38: {  	s0 =	rddreg [dreg:$0x0];
	s2 =	stileid.u32  }
0x39: {  	s1 =	rddreg [dreg:$0x1];
	p0 =	sne.s32 s2, $0x0  }
0x3a: {  	s3 =	rddreg [dreg:$0x2];
	[bflag:$0x3] =	sbarrier.arrive $0xFFFF;
	s2 =	simm.s32 @!p0 $0x1C03  }
0x3b: {  	[timem:s3], [sflag:s2] =	dma.local @!p0 [hbm:s0], s1  }
0x3c: {  	s0 =	simm.s32 @!p0 $0x3  }
0x3d: {  	_ =	swait.ge @!p0 [sflag:s0], s1  }
0x3e: {  	s1 =	ssub.s32 @!p0 $0x0, s1;
	[sflag:s0] =	ssyncset.done @!p0 $0x0  }
0x3f: {  	[sflag:s0] =	ssyncadd.s32 @!p0 s1  }
0x40: {  	[bflag:$0x3] =	sbarrier.arrive $0xFFFF  }
0x41: {  	_ =	shalt  }

</sc_bundles>
